<compile_context>
chip_gen: v7x
topology: tpu7x:2x2x1
jax: 0.10.2.dev20260603
libtpu: 0.0.44.dev20260713+nightly
codegen_flags: <defaults>
</compile_context>

<pallas_src>
import functools

import jax
import jax.numpy as jnp
from jax import lax
from jax.experimental import pallas as pl
from jax.experimental.pallas import tpu as pltpu
from jax.experimental.pallas import tpu_sc as plsc

N = 10000
E = 320000
HEADS = 8
HID = 64
HD = HEADS * HID

NTILES = 32
CHUNK = 64
BLK = 2048
SRCCAP = 16384
ETOT = E + N
EPAD = ((ETOT + 4 * CHUNK + 3 * BLK) // BLK + 1) * BLK
OFFPAD = ((N + 1 + 16 + 7) // 8) * 8
TSPAD = 48


def _sload(ref, i):
    base = (i // 8) * 8
    v = ref[pl.ds(base, 16)]
    idx = jnp.full((16, 1), i - base, jnp.int32)
    dn = lax.GatherDimensionNumbers(
        offset_dims=(), collapsed_slice_dims=(0,), start_index_map=(0,))
    return lax.gather(v, idx, dn, (1,),
                      mode=lax.GatherScatterMode.PROMISE_IN_BOUNDS)[0]


def _bn(x, g, b):
    m = jnp.mean(x, axis=0)
    v = jnp.var(x, axis=0)
    return g * (x - m) / jnp.sqrt(v + 1e-5) + b


def _bcast(v, lane):
    idx = jnp.full((16, 1), lane, jnp.int32)
    dn = lax.GatherDimensionNumbers(
        offset_dims=(), collapsed_slice_dims=(0,), start_index_map=(0,))
    return lax.gather(v, idx, dn, (1,),
                      mode=lax.GatherScatterMode.PROMISE_IN_BOUNDS)


def _edge_prep(src, dst):
    loops = jnp.arange(N, dtype=jnp.int32)
    src2 = jnp.concatenate([src.astype(jnp.int32), loops])
    dst2 = jnp.concatenate([dst.astype(jnp.int32), loops])
    key = lax.sort(dst2 * 16384 + src2)
    ss = key & 16383
    off = jnp.searchsorted(key, jnp.arange(N + 1, dtype=jnp.int32) * 16384,
                           side='left').astype(jnp.int32)
    off_pad = jnp.concatenate(
        [off, jnp.full((OFFPAD - (N + 1),), ETOT, jnp.int32)])
    src_pad = jnp.concatenate([ss, jnp.zeros((EPAD - ETOT,), jnp.int32)])
    targets = (jnp.arange(NTILES + 1, dtype=jnp.int32) * ETOT) // NTILES
    ts = jnp.searchsorted(off, targets, side='left').astype(jnp.int32)
    ts_pad = jnp.concatenate([ts, jnp.zeros((TSPAD - (NTILES + 1),), jnp.int32)])
    cnt = (off[1:] - off[:-1] - 1).astype(jnp.float32)
    return src_pad, off_pad, ts_pad, cnt


AGG_CH = 80
EPS = E // 16
N2 = 10240
NHALF = N2 // 2
NROWS = NHALF // 16


def _agg_body(y_hbm, dst_hbm, z_hbm, out_hbm,
              ybuf, dstbuf, idxbuf, obuf, zbuf, shared, sem):
    c = lax.axis_index("c")
    s = lax.axis_index("s")
    pltpu.sync_copy(z_hbm, zbuf)
    pltpu.sync_copy(zbuf, shared.at[pl.ds(s * NROWS, NROWS)])
    plsc.subcore_barrier()
    lo = c * NHALF
    base = s * EPS

    def chunk(ci, carry):
        st = base + ci * AGG_CH
        pltpu.sync_copy(y_hbm.at[pl.ds(st, AGG_CH)], ybuf)
        pltpu.sync_copy(dst_hbm.at[pl.ds(st, AGG_CH)], dstbuf)
        for o in list(range(0, AGG_CH - 16, 16)) + [AGG_CH - 16]:
            dv = dstbuf[pl.ds(o, 16)]
            keep = (dv >= lo) & (dv < lo + NHALF)
            idxbuf[pl.ds(o, 16)] = jnp.where(keep, dv - lo, NHALF)

        def ebody(e, cc):
            for kk in range(4):
                c0 = kk * 16
                obuf[e, pl.ds(c0, 16)] = jnp.maximum(ybuf[e, pl.ds(c0, 16)], 0.0)
            return cc
        lax.fori_loop(0, AGG_CH, ebody, 0)
        pltpu.sync_copy(obuf, shared.at[idxbuf], add=True)
        return carry
    lax.fori_loop(0, EPS // AGG_CH, chunk, 0)
    plsc.subcore_barrier()
    pltpu.sync_copy(shared.at[pl.ds(s * NROWS, NROWS)],
                    out_hbm.at[pl.ds(c * NHALF + s * NROWS, NROWS)])


@jax.jit
def _agg_sc_call(y, dst, zrows):
    mesh = plsc.VectorSubcoreMesh(core_axis_name="c", subcore_axis_name="s")
    return pl.kernel(
        _agg_body,
        mesh=mesh,
        out_type=jax.ShapeDtypeStruct((N2, 64), jnp.float32),
        compiler_params=pltpu.CompilerParams(needs_layout_passes=False),
        scratch_types=[
            pltpu.VMEM((AGG_CH, 64), jnp.float32),
            pltpu.VMEM((AGG_CH,), jnp.int32),
            pltpu.VMEM((AGG_CH,), jnp.int32),
            pltpu.VMEM((AGG_CH, 64), jnp.float32),
            pltpu.VMEM((NROWS, 64), jnp.float32),
            pltpu.VMEM_SHARED((NHALF + 8, 64), jnp.float32),
            pltpu.SemaphoreType.DMA,
        ],
    )(y, dst, zrows)


def _gat_body(xl_hbm, xr_hbm, att_hbm, src_hbm, off_hbm, ts_hbm, out_hbm,
              srcbuf, offbuf, tsbuf, attbuf, rowbuf, xibuf, outbuf,
              accbuf, denbuf, sem0, sem1):
    wid = lax.axis_index("s") * 2 + lax.axis_index("c")
    pltpu.sync_copy(off_hbm, offbuf)
    pltpu.sync_copy(ts_hbm, tsbuf)
    pltpu.sync_copy(att_hbm, attbuf)
    n_lo = _sload(tsbuf, wid)
    n_hi = _sload(tsbuf, wid + 1)
    sems = (sem0, sem1)

    def _finalize(i):
        for h in range(HEADS):
            dv = denbuf[pl.ds(h * 16, 16)]
            for kk in range(HID // 16):
                c0 = h * HID + kk * 16
                outbuf[0, pl.ds(c0, 16)] = accbuf[pl.ds(c0, 16)] / dv
        pltpu.sync_copy(outbuf, out_hbm.at[pl.ds(i, 1)])

    def _reset():
        zero = jnp.zeros((16,), jnp.float32)
        for h in range(HEADS):
            denbuf[pl.ds(h * 16, 16)] = zero
        for kk in range(HD // 16):
            accbuf[pl.ds(kk * 16, 16)] = zero

    @pl.when(n_lo < n_hi)
    def _():
        e_lo = _sload(offbuf, n_lo)
        e_hi = _sload(offbuf, n_hi)
        alo = (e_lo // 8) * 8
        nblk = jnp.minimum((e_hi - alo + 4 * CHUNK + BLK - 1) // BLK,
                           SRCCAP // BLK)

        def stage(b, c):
            pltpu.sync_copy(src_hbm.at[pl.ds(alo + b * BLK, BLK)],
                            srcbuf.at[pl.ds(b * BLK, BLK)])
            return c
        lax.fori_loop(0, nblk, stage, 0)

        _reset()
        pltpu.sync_copy(xr_hbm.at[pl.ds(n_lo, 1)], xibuf)
        nchunk = jnp.minimum((e_hi - alo + CHUNK - 1) // CHUNK,
                             SRCCAP // CHUNK - 4)
        npairs = (nchunk + 1) // 2

        def issue(k, slot):
            pltpu.async_copy(
                xl_hbm.at[srcbuf.at[pl.ds(k * CHUNK, CHUNK)]],
                rowbuf.at[slot], sems[slot])

        def wait_slot(k, slot):
            pltpu.make_async_copy(
                xl_hbm.at[srcbuf.at[pl.ds(k * CHUNK, CHUNK)]],
                rowbuf.at[slot], sems[slot]).wait()

        def process(k, slot, carry):
            qbase = alo + k * CHUNK
            ebeg = jnp.maximum(e_lo - qbase, 0)
            ne = jnp.maximum(jnp.minimum(CHUNK, e_hi - qbase), ebeg)

            def edge_body(e, carry):
                cur, bnext = carry
                q = qbase + e
                adv = q == bnext

                @pl.when(adv)
                def _fin():
                    _finalize(cur)
                    _reset()
                    pltpu.sync_copy(xr_hbm.at[pl.ds(cur + 1, 1)], xibuf)

                cur = jnp.where(adv, cur + 1, cur)
                bnext = lax.cond(adv, lambda: _sload(offbuf, cur + 1),
                                 lambda: bnext)
                for h in range(HEADS):
                    sv = jnp.zeros((16,), jnp.float32)
                    xjs = []
                    for kk in range(HID // 16):
                        c0 = h * HID + kk * 16
                        xj = rowbuf[slot, e, pl.ds(c0, 16)]
                        xjs.append(xj)
                        t = xibuf[0, pl.ds(c0, 16)] + xj
                        lk = jnp.maximum(t, 0.2 * t)
                        sv = sv + lk * attbuf[pl.ds(c0, 16)]
                    eb = jnp.exp(jnp.full((16,), jnp.sum(sv)))
                    d0 = pl.ds(h * 16, 16)
                    denbuf[d0] = denbuf[d0] + eb
                    for kk in range(HID // 16):
                        c0 = h * HID + kk * 16
                        accbuf[pl.ds(c0, 16)] = accbuf[pl.ds(c0, 16)] + xjs[kk] * eb
                return (cur, bnext)

            return lax.fori_loop(ebeg, ne, edge_body, carry)

        issue(0, 0)

        def pair_body(p, carry):
            k0 = 2 * p
            k1 = k0 + 1
            wait_slot(k0, 0)
            issue(k1, 1)
            carry = process(k0, 0, carry)
            wait_slot(k1, 1)
            issue(k0 + 2, 0)
            carry = process(k1, 1, carry)
            return carry

        carry0 = (n_lo, _sload(offbuf, n_lo + 1))
        lax.fori_loop(0, npairs, pair_body, carry0)
        wait_slot(2 * npairs, 0)
        _finalize(n_hi - 1)


@jax.jit
def _gat_sc_call(xl, xr, attf, src_pad, off_pad, ts_pad):
    mesh = plsc.VectorSubcoreMesh(core_axis_name="c", subcore_axis_name="s")
    return pl.kernel(
        _gat_body,
        mesh=mesh,
        out_type=jax.ShapeDtypeStruct((N, HD), jnp.float32),
        compiler_params=pltpu.CompilerParams(needs_layout_passes=False),
        scratch_types=[
            pltpu.VMEM((SRCCAP,), jnp.int32),
            pltpu.VMEM((OFFPAD,), jnp.int32),
            pltpu.VMEM((TSPAD,), jnp.int32),
            pltpu.VMEM((HD,), jnp.float32),
            pltpu.VMEM((2, CHUNK, HD), jnp.float32),
            pltpu.VMEM((1, HD), jnp.float32),
            pltpu.VMEM((1, HD), jnp.float32),
            pltpu.VMEM((HD,), jnp.float32),
            pltpu.VMEM((HEADS * 16,), jnp.float32),
            pltpu.SemaphoreType.DMA,
            pltpu.SemaphoreType.DMA,
        ],
    )(xl, xr, attf, src_pad, off_pad, ts_pad)


def _gat(x, Wl, bl, Wr, br, att, bias, src_pad, off_pad, ts_pad):
    xl = x @ Wl + bl
    xr = x @ Wr + br
    out = _gat_sc_call(xl, xr, att.reshape(HD), src_pad, off_pad, ts_pad)
    return out + bias


def _head_kernel(h_ref, p1w_ref, p1g_ref, p1b_ref, p2w_ref, p2g_ref, p2b_ref,
                 p3w_ref, p3b_ref, out_ref):
    h = h_ref[...]
    y = h @ p1w_ref[...]
    m = jnp.mean(y, axis=0)
    v = jnp.mean((y - m[None, :]) ** 2, axis=0)
    y = p1g_ref[...] * (y - m[None, :]) / jnp.sqrt(v[None, :] + 1e-5) + p1b_ref[...]
    y = jnp.maximum(y, 0.0)
    z = y @ p2w_ref[...]
    m2 = jnp.mean(z, axis=0)
    v2 = jnp.mean((z - m2[None, :]) ** 2, axis=0)
    z = p2g_ref[...] * (z - m2[None, :]) / jnp.sqrt(v2[None, :] + 1e-5) + p2b_ref[...]
    z = jnp.maximum(z, 0.0)
    out_ref[...] = z @ p3w_ref[...] + p3b_ref[...]


def _mlp_head(h, p):
    out = pl.pallas_call(
        _head_kernel,
        out_shape=jax.ShapeDtypeStruct((N, 1), jnp.float32),
    )(h, p['p1_W'], p['p1_g'], p['p1_beta'], p['p2_W'], p['p2_g'],
      p['p2_beta'], p['p3_W'], p['p3_b'])
    return out[:, 0]


def kernel(x, edge_index, edge_attr, params):
    p = params
    src, dst = edge_index[0], edge_index[1]
    src_pad, off_pad, ts_pad, cnt = _edge_prep(src, dst)
    a = jax.nn.relu(_bn(x @ p['ap_W'] + p['ap_b'], p['ap_g'], p['ap_beta']))
    y = edge_attr @ p['ep_W']
    m = jnp.mean(y, axis=0)
    v = jnp.var(y, axis=0)
    s1 = p['ep_g'] / jnp.sqrt(v + 1e-5)
    y = y * s1[None, :] + (p['ep_beta'] - m * s1)[None, :]
    parts = _agg_sc_call(y, dst.astype(jnp.int32),
                         jnp.zeros((NROWS, 64), jnp.float32))
    agg = parts[:N] / jnp.clip(cnt, 1.0)[:, None]
    msg = jax.nn.relu(_bn((a + agg) @ p['am_W'] + p['am_b'], p['am_g'], p['am_beta']))
    h = jnp.concatenate([msg, agg], axis=1)
    h = _gat(h, p['g1_Wl'], p['g1_bl'], p['g1_Wr'], p['g1_br'], p['g1_att'],
             p['g1_bias'], src_pad, off_pad, ts_pad)
    h = jax.nn.relu(_bn(h, p['bn1_g'], p['bn1_b']))
    h = _gat(h, p['g2_Wl'], p['g2_bl'], p['g2_Wr'], p['g2_br'], p['g2_att'],
             p['g2_bias'], src_pad, off_pad, ts_pad)
    h = jax.nn.relu(_bn(h, p['bn2_g'], p['bn2_b']))
    return _mlp_head(h, p)

# --- scband reference (transcript-rebuilt; emitter-appended) ---
"""Pipeline reference for scband-gatv2-model-77292231459222 (READ-ONLY COPY).

The authoritative reference and input builder live on the scoring server;
editing this copy changes nothing except your own understanding.
"""

import jax, jax.numpy as jnp
import numpy as np

N = 10000
E = 320000
HEADS = 8
HID = 64

def _bn(x, g, b):
    m = jnp.mean(x, axis=0)
    v = jnp.var(x, axis=0)
    return g * (x - m) / jnp.sqrt(v + 1e-5) + b

def _gat(x, src, dst, Wl, bl, Wr, br, att, bias):
    n = x.shape[0]
    xl = (x @ Wl + bl).reshape(n, HEADS, HID)
    xr = (x @ Wr + br).reshape(n, HEADS, HID)
    xj = xl[src]
    xi = xr[dst]
    e = jax.nn.leaky_relu(xi + xj, 0.2)
    logits = jnp.einsum('ehc,hc->eh', e, att)
    mx = jax.lax.stop_gradient(jax.ops.segment_max(logits, dst, num_segments=n))
    ex = jnp.exp(logits - mx[dst])
    den = jax.ops.segment_sum(ex, dst, num_segments=n)
    alpha = ex / den[dst]
    out = jax.ops.segment_sum(alpha[:, :, None] * xj, dst, num_segments=n)
    return out.reshape(n, HEADS * HID) + bias

def _forward(x, edge_attr, p, src, dst):
    loops = jnp.arange(N)
    src2 = jnp.concatenate([src, loops])
    dst2 = jnp.concatenate([dst, loops])
    a = jax.nn.relu(_bn(x @ p['ap_W'] + p['ap_b'], p['ap_g'], p['ap_beta']))
    e = jax.nn.relu(_bn(edge_attr @ p['ep_W'] + p['ep_b'], p['ep_g'], p['ep_beta']))
    cnt = jax.ops.segment_sum(jnp.ones((E,), jnp.float32), dst, num_segments=N)
    agg = jax.ops.segment_sum(e, dst, num_segments=N) / jnp.clip(cnt, 1.0)[:, None]
    msg = jax.nn.relu(_bn((a + agg) @ p['am_W'] + p['am_b'], p['am_g'], p['am_beta']))
    h = jnp.concatenate([msg, agg], axis=1)
    h = _gat(h, src2, dst2, p['g1_Wl'], p['g1_bl'], p['g1_Wr'], p['g1_br'], p['g1_att'], p['g1_bias'])
    h = jax.nn.relu(_bn(h, p['bn1_g'], p['bn1_b']))
    h = _gat(h, src2, dst2, p['g2_Wl'], p['g2_bl'], p['g2_Wr'], p['g2_br'], p['g2_att'], p['g2_bias'])
    h = jax.nn.relu(_bn(h, p['bn2_g'], p['bn2_b']))
    h = jax.nn.relu(_bn(h @ p['p1_W'] + p['p1_b'], p['p1_g'], p['p1_beta']))
    h = jax.nn.relu(_bn(h @ p['p2_W'] + p['p2_b'], p['p2_g'], p['p2_beta']))
    out = h @ p['p3_W'] + p['p3_b']
    return out.squeeze(-1)

def setup_inputs(seed: int = 0):
    key = jax.random.key(seed)
    def rn(i, shape, fan_in):
        return jax.random.normal(jax.random.fold_in(key, i), shape, dtype=jnp.float32) / np.sqrt(fan_in)
    HD = HEADS * HID
    params = {
        'ap_W': rn(1, (128, 64), 128), 'ap_b': jnp.zeros((64,)), 'ap_g': jnp.ones((64,)), 'ap_beta': jnp.zeros((64,)),
        'ep_W': rn(2, (16, 64), 16), 'ep_b': jnp.zeros((64,)), 'ep_g': jnp.ones((64,)), 'ep_beta': jnp.zeros((64,)),
        'am_W': rn(3, (64, 64), 64), 'am_b': jnp.zeros((64,)), 'am_g': jnp.ones((64,)), 'am_beta': jnp.zeros((64,)),
        'g1_Wl': rn(4, (128, HD), 128), 'g1_bl': jnp.zeros((HD,)), 'g1_Wr': rn(5, (128, HD), 128), 'g1_br': jnp.zeros((HD,)), 'g1_att': rn(6, (HEADS, HID), HID), 'g1_bias': jnp.zeros((HD,)),
        'g2_Wl': rn(7, (HD, HD), HD), 'g2_bl': jnp.zeros((HD,)), 'g2_Wr': rn(8, (HD, HD), HD), 'g2_br': jnp.zeros((HD,)), 'g2_att': rn(9, (HEADS, HID), HID), 'g2_bias': jnp.zeros((HD,)),
        'bn1_g': jnp.ones((HD,)), 'bn1_b': jnp.zeros((HD,)), 'bn2_g': jnp.ones((HD,)), 'bn2_b': jnp.zeros((HD,)),
        'p1_W': rn(10, (HD, 128), HD), 'p1_b': jnp.zeros((128,)), 'p1_g': jnp.ones((128,)), 'p1_beta': jnp.zeros((128,)),
        'p2_W': rn(11, (128, 64), 128), 'p2_b': jnp.zeros((64,)), 'p2_g': jnp.ones((64,)), 'p2_beta': jnp.zeros((64,)),
        'p3_W': rn(12, (64, 1), 64), 'p3_b': jnp.zeros((1,)),
    }
    x = jax.random.normal(jax.random.fold_in(key, 50), (N, 128), dtype=jnp.float32)
    edge_attr = jax.random.normal(jax.random.fold_in(key, 51), (E, 16), dtype=jnp.float32)
    edge_index = jax.random.randint(jax.random.fold_in(key, 52), (2, E), 0, N)
    return {'x': x, 'edge_index': edge_index, 'edge_attr': edge_attr, 'params': params}

def reference(x, edge_index, edge_attr, params):
    return _forward(x, edge_attr, params, edge_index[0], edge_index[1])

if __name__ == "__main__":
    import jax
    _d = setup_inputs()
    print(jax.jit(kernel)(*tuple(_d.values())))

</pallas_src>

<mosaic_0001>
#map = affine_map<(d0, d1) -> (0, 0)>
#map1 = affine_map<(d0, d1) -> (0)>
module attributes {stable_mosaic.version = 14 : i64} {
  func.func @_agg_body(%arg0: i32, %arg1: i32, %arg2: memref<320000x64xf32, #tpu.memory_space<hbm>>, %arg3: memref<320000xi32, #tpu.memory_space<hbm>>, %arg4: memref<320x64xf32, #tpu.memory_space<hbm>>, %arg5: memref<10240x64xf32, #tpu.memory_space<hbm>>, %arg6: memref<80x64xf32, #tpu.memory_space<vmem>>, %arg7: memref<80xi32, #tpu.memory_space<vmem>>, %arg8: memref<80xi32, #tpu.memory_space<vmem>>, %arg9: memref<80x64xf32, #tpu.memory_space<vmem>>, %arg10: memref<320x64xf32, #tpu.memory_space<vmem>>, %arg11: memref<5128x64xf32, #tpu.memory_space<vmem_shared>>, %arg12: memref<!tpu.dma_semaphore, #tpu.memory_space<semaphore_mem>>) attributes {dimension_semantics = [#tpu.dimension_semantics<core_parallel>, #tpu.dimension_semantics<subcore_parallel>], iteration_bounds = array<i64: 2, 16>, scalar_prefetch = 0 : i64, scratch_operands = 7 : i64, tpu.core_type = #tpu.core_type<sc_vector_subcore>, window_params = [{transform_indices = #map}, {transform_indices = #map1}, {transform_indices = #map}, {transform_indices = #map}]} {
    "tpu.region"() ({
      %run_scoped3A = tpu.sem_alloc : memref<!tpu.dma_semaphore, #tpu.memory_space<semaphore_mem>>
      tpu.enqueue_dma source(%arg4 : memref<320x64xf32, #tpu.memory_space<hbm>>) target(%arg10 : memref<320x64xf32, #tpu.memory_space<vmem>>) target_semaphore(%run_scoped3A : memref<!tpu.dma_semaphore, #tpu.memory_space<semaphore_mem>>)
      tpu.wait_dma2 semaphore(%run_scoped3A : memref<!tpu.dma_semaphore, #tpu.memory_space<semaphore_mem>>) src(%arg4 : memref<320x64xf32, #tpu.memory_space<hbm>>) dst(%arg10 : memref<320x64xf32, #tpu.memory_space<vmem>>)
      tpu.yield
    }) : () -> ()
    %mul3A = arith.constant 320 : i32
    %mul3A_0 = arith.muli %arg1, %mul3A : i32
    "tpu.region"() ({
      %run_scoped3A = tpu.sem_alloc : memref<!tpu.dma_semaphore, #tpu.memory_space<semaphore_mem>>
      %dma_start3A = arith.constant 0 : i32
      %dma_start3A_17 = tpu.memref_slice %arg11[%mul3A_0, %dma_start3A] : memref<5128x64xf32, #tpu.memory_space<vmem_shared>> -> memref<320x64xf32, #tpu.memory_space<vmem_shared>>
      %dma_start3A_18 = arith.constant 0 : i32
      %dma_start3A_19 = tpu.memref_slice %arg11[%mul3A_0, %dma_start3A_18] : memref<5128x64xf32, #tpu.memory_space<vmem_shared>> -> memref<320x64xf32, #tpu.memory_space<vmem_shared>>
      tpu.enqueue_dma source(%arg10 : memref<320x64xf32, #tpu.memory_space<vmem>>) target(%dma_start3A_19 : memref<320x64xf32, #tpu.memory_space<vmem_shared>>) target_semaphore(%run_scoped3A : memref<!tpu.dma_semaphore, #tpu.memory_space<semaphore_mem>>)
      %dma_wait3A = arith.constant 0 : i32
      %dma_wait3A_20 = tpu.memref_slice %arg11[%mul3A_0, %dma_wait3A] : memref<5128x64xf32, #tpu.memory_space<vmem_shared>> -> memref<320x64xf32, #tpu.memory_space<vmem_shared>>
      %dma_wait3A_21 = arith.constant 0 : i32
      %dma_wait3A_22 = tpu.memref_slice %arg11[%mul3A_0, %dma_wait3A_21] : memref<5128x64xf32, #tpu.memory_space<vmem_shared>> -> memref<320x64xf32, #tpu.memory_space<vmem_shared>>
      tpu.wait_dma2 semaphore(%run_scoped3A : memref<!tpu.dma_semaphore, #tpu.memory_space<semaphore_mem>>) src(%arg10 : memref<320x64xf32, #tpu.memory_space<vmem>>) dst(%dma_wait3A_22 : memref<320x64xf32, #tpu.memory_space<vmem_shared>>)
      tpu.yield
    }) : () -> ()
    %barrier3A = arith.constant 0 : index
    tpu.barrier barrier_id(%barrier3A)
    %mul3A_1 = arith.constant 5120 : i32
    %mul3A_2 = arith.muli %arg0, %mul3A_1 : i32
    %mul3A_3 = arith.constant 20000 : i32
    %mul3A_4 = arith.muli %arg1, %mul3A_3 : i32
    %scan3A = arith.constant 0 : i32
    %scan3A_5 = arith.constant 0 : i32
    %scan3A_6 = arith.constant 250 : i32
    %scan3A_7 = arith.addi %scan3A_5, %scan3A_6 : i32
    %scan3A_8 = arith.constant 1 : i32
    scf.for %scan3A_17 = %scan3A_5 to %scan3A_7 step %scan3A_8  : i32 {
      %mul3A_18 = arith.constant 80 : i32
      %mul3A_19 = arith.muli %scan3A_17, %mul3A_18 : i32
      %add3A_20 = arith.addi %mul3A_4, %mul3A_19 : i32
      "tpu.region"() ({
        %run_scoped3A = tpu.sem_alloc : memref<!tpu.dma_semaphore, #tpu.memory_space<semaphore_mem>>
        %dma_start3A = arith.constant 0 : i32
        %dma_start3A_98 = tpu.memref_slice %arg2[%add3A_20, %dma_start3A] : memref<320000x64xf32, #tpu.memory_space<hbm>> -> memref<80x64xf32, #tpu.memory_space<hbm>>
        %dma_start3A_99 = arith.constant 0 : i32
        %dma_start3A_100 = tpu.memref_slice %arg2[%add3A_20, %dma_start3A_99] : memref<320000x64xf32, #tpu.memory_space<hbm>> -> memref<80x64xf32, #tpu.memory_space<hbm>>
        tpu.enqueue_dma source(%dma_start3A_100 : memref<80x64xf32, #tpu.memory_space<hbm>>) target(%arg6 : memref<80x64xf32, #tpu.memory_space<vmem>>) target_semaphore(%run_scoped3A : memref<!tpu.dma_semaphore, #tpu.memory_space<semaphore_mem>>)
        %dma_wait3A = arith.constant 0 : i32
        %dma_wait3A_101 = tpu.memref_slice %arg2[%add3A_20, %dma_wait3A] : memref<320000x64xf32, #tpu.memory_space<hbm>> -> memref<80x64xf32, #tpu.memory_space<hbm>>
        %dma_wait3A_102 = arith.constant 0 : i32
        %dma_wait3A_103 = tpu.memref_slice %arg2[%add3A_20, %dma_wait3A_102] : memref<320000x64xf32, #tpu.memory_space<hbm>> -> memref<80x64xf32, #tpu.memory_space<hbm>>
        tpu.wait_dma2 semaphore(%run_scoped3A : memref<!tpu.dma_semaphore, #tpu.memory_space<semaphore_mem>>) src(%dma_wait3A_103 : memref<80x64xf32, #tpu.memory_space<hbm>>) dst(%arg6 : memref<80x64xf32, #tpu.memory_space<vmem>>)
        tpu.yield
      }) : () -> ()
      "tpu.region"() ({
        %run_scoped3A = tpu.sem_alloc : memref<!tpu.dma_semaphore, #tpu.memory_space<semaphore_mem>>
        %dma_start3A = tpu.memref_slice %arg3[%add3A_20] : memref<320000xi32, #tpu.memory_space<hbm>> -> memref<80xi32, #tpu.memory_space<hbm>>
        %dma_start3A_98 = tpu.memref_slice %arg3[%add3A_20] : memref<320000xi32, #tpu.memory_space<hbm>> -> memref<80xi32, #tpu.memory_space<hbm>>
        tpu.enqueue_dma source(%dma_start3A_98 : memref<80xi32, #tpu.memory_space<hbm>>) target(%arg7 : memref<80xi32, #tpu.memory_space<vmem>>) target_semaphore(%run_scoped3A : memref<!tpu.dma_semaphore, #tpu.memory_space<semaphore_mem>>)
        %dma_wait3A = tpu.memref_slice %arg3[%add3A_20] : memref<320000xi32, #tpu.memory_space<hbm>> -> memref<80xi32, #tpu.memory_space<hbm>>
        %dma_wait3A_99 = tpu.memref_slice %arg3[%add3A_20] : memref<320000xi32, #tpu.memory_space<hbm>> -> memref<80xi32, #tpu.memory_space<hbm>>
        tpu.wait_dma2 semaphore(%run_scoped3A : memref<!tpu.dma_semaphore, #tpu.memory_space<semaphore_mem>>) src(%dma_wait3A_99 : memref<80xi32, #tpu.memory_space<hbm>>) dst(%arg7 : memref<80xi32, #tpu.memory_space<vmem>>)
        tpu.yield
      }) : () -> ()
      %get3A = arith.constant 0 : index
      %get3A_21 = tpu.vector_load %arg7[%get3A] {strides = array<i32>} : memref<80xi32, #tpu.memory_space<vmem>>, vector<16xi32>,
      %ge3A = vector.broadcast %mul3A_2 : i32 to vector<16xi32>
      %ge3A_22 = arith.cmpi sge, %get3A_21, %ge3A : vector<16xi32>
      %add3A_23 = arith.constant 5120 : i32
      %add3A_24 = arith.addi %mul3A_2, %add3A_23 : i32
      %lt3A = vector.broadcast %add3A_24 : i32 to vector<16xi32>
      %lt3A_25 = arith.cmpi slt, %get3A_21, %lt3A : vector<16xi32>
      %and3A = arith.andi %ge3A_22, %lt3A_25 : vector<16xi1>
      %sub3A = vector.broadcast %mul3A_2 : i32 to vector<16xi32>
      %sub3A_26 = arith.subi %get3A_21, %sub3A : vector<16xi32>
      %jit3A = arith.constant 5120 : i32
      %broadcast_in_dim3A = vector.broadcast %jit3A : i32 to vector<16xi32>
      %select_n3A = arith.select %and3A, %sub3A_26, %broadcast_in_dim3A : vector<16xi1>, vector<16xi32>
      %swap3A = arith.constant 0 : index
      %swap3A_27 = tpu.vector_load %arg8[%swap3A] {strides = array<i32>} : memref<80xi32, #tpu.memory_space<vmem>>, vector<16xi32>,
      tpu.vector_store %arg8[%swap3A], %select_n3A {strides = array<i32>} : memref<80xi32, #tpu.memory_space<vmem>>, vector<16xi32>,
      %get3A_28 = arith.constant 16 : index
      %get3A_29 = tpu.vector_load %arg7[%get3A_28] {strides = array<i32>} : memref<80xi32, #tpu.memory_space<vmem>>, vector<16xi32>,
      %ge3A_30 = vector.broadcast %mul3A_2 : i32 to vector<16xi32>
      %ge3A_31 = arith.cmpi sge, %get3A_29, %ge3A_30 : vector<16xi32>
      %add3A_32 = arith.constant 5120 : i32
      %add3A_33 = arith.addi %mul3A_2, %add3A_32 : i32
      %lt3A_34 = vector.broadcast %add3A_33 : i32 to vector<16xi32>
      %lt3A_35 = arith.cmpi slt, %get3A_29, %lt3A_34 : vector<16xi32>
      %and3A_36 = arith.andi %ge3A_31, %lt3A_35 : vector<16xi1>
      %sub3A_37 = vector.broadcast %mul3A_2 : i32 to vector<16xi32>
      %sub3A_38 = arith.subi %get3A_29, %sub3A_37 : vector<16xi32>
      %jit3A_39 = arith.constant 5120 : i32
      %broadcast_in_dim3A_40 = vector.broadcast %jit3A_39 : i32 to vector<16xi32>
      %select_n3A_41 = arith.select %and3A_36, %sub3A_38, %broadcast_in_dim3A_40 : vector<16xi1>, vector<16xi32>
      %swap3A_42 = arith.constant 16 : index
      %swap3A_43 = tpu.vector_load %arg8[%swap3A_42] {strides = array<i32>} : memref<80xi32, #tpu.memory_space<vmem>>, vector<16xi32>,
      tpu.vector_store %arg8[%swap3A_42], %select_n3A_41 {strides = array<i32>} : memref<80xi32, #tpu.memory_space<vmem>>, vector<16xi32>,
      %get3A_44 = arith.constant 32 : index
      %get3A_45 = tpu.vector_load %arg7[%get3A_44] {strides = array<i32>} : memref<80xi32, #tpu.memory_space<vmem>>, vector<16xi32>,
      %ge3A_46 = vector.broadcast %mul3A_2 : i32 to vector<16xi32>
      %ge3A_47 = arith.cmpi sge, %get3A_45, %ge3A_46 : vector<16xi32>
      %add3A_48 = arith.constant 5120 : i32
      %add3A_49 = arith.addi %mul3A_2, %add3A_48 : i32
      %lt3A_50 = vector.broadcast %add3A_49 : i32 to vector<16xi32>
      %lt3A_51 = arith.cmpi slt, %get3A_45, %lt3A_50 : vector<16xi32>
      %and3A_52 = arith.andi %ge3A_47, %lt3A_51 : vector<16xi1>
      %sub3A_53 = vector.broadcast %mul3A_2 : i32 to vector<16xi32>
      %sub3A_54 = arith.subi %get3A_45, %sub3A_53 : vector<16xi32>
      %jit3A_55 = arith.constant 5120 : i32
      %broadcast_in_dim3A_56 = vector.broadcast %jit3A_55 : i32 to vector<16xi32>
      %select_n3A_57 = arith.select %and3A_52, %sub3A_54, %broadcast_in_dim3A_56 : vector<16xi1>, vector<16xi32>
      %swap3A_58 = arith.constant 32 : index
      %swap3A_59 = tpu.vector_load %arg8[%swap3A_58] {strides = array<i32>} : memref<80xi32, #tpu.memory_space<vmem>>, vector<16xi32>,
      tpu.vector_store %arg8[%swap3A_58], %select_n3A_57 {strides = array<i32>} : memref<80xi32, #tpu.memory_space<vmem>>, vector<16xi32>,
      %get3A_60 = arith.constant 48 : index
      %get3A_61 = tpu.vector_load %arg7[%get3A_60] {strides = array<i32>} : memref<80xi32, #tpu.memory_space<vmem>>, vector<16xi32>,
      %ge3A_62 = vector.broadcast %mul3A_2 : i32 to vector<16xi32>
      %ge3A_63 = arith.cmpi sge, %get3A_61, %ge3A_62 : vector<16xi32>
      %add3A_64 = arith.constant 5120 : i32
      %add3A_65 = arith.addi %mul3A_2, %add3A_64 : i32
      %lt3A_66 = vector.broadcast %add3A_65 : i32 to vector<16xi32>
      %lt3A_67 = arith.cmpi slt, %get3A_61, %lt3A_66 : vector<16xi32>
      %and3A_68 = arith.andi %ge3A_63, %lt3A_67 : vector<16xi1>
      %sub3A_69 = vector.broadcast %mul3A_2 : i32 to vector<16xi32>
      %sub3A_70 = arith.subi %get3A_61, %sub3A_69 : vector<16xi32>
      %jit3A_71 = arith.constant 5120 : i32
      %broadcast_in_dim3A_72 = vector.broadcast %jit3A_71 : i32 to vector<16xi32>
      %select_n3A_73 = arith.select %and3A_68, %sub3A_70, %broadcast_in_dim3A_72 : vector<16xi1>, vector<16xi32>
      %swap3A_74 = arith.constant 48 : index
      %swap3A_75 = tpu.vector_load %arg8[%swap3A_74] {strides = array<i32>} : memref<80xi32, #tpu.memory_space<vmem>>, vector<16xi32>,
      tpu.vector_store %arg8[%swap3A_74], %select_n3A_73 {strides = array<i32>} : memref<80xi32, #tpu.memory_space<vmem>>, vector<16xi32>,
      %get3A_76 = arith.constant 64 : index
      %get3A_77 = tpu.vector_load %arg7[%get3A_76] {strides = array<i32>} : memref<80xi32, #tpu.memory_space<vmem>>, vector<16xi32>,
      %ge3A_78 = vector.broadcast %mul3A_2 : i32 to vector<16xi32>
      %ge3A_79 = arith.cmpi sge, %get3A_77, %ge3A_78 : vector<16xi32>
      %add3A_80 = arith.constant 5120 : i32
      %add3A_81 = arith.addi %mul3A_2, %add3A_80 : i32
      %lt3A_82 = vector.broadcast %add3A_81 : i32 to vector<16xi32>
      %lt3A_83 = arith.cmpi slt, %get3A_77, %lt3A_82 : vector<16xi32>
      %and3A_84 = arith.andi %ge3A_79, %lt3A_83 : vector<16xi1>
      %sub3A_85 = vector.broadcast %mul3A_2 : i32 to vector<16xi32>
      %sub3A_86 = arith.subi %get3A_77, %sub3A_85 : vector<16xi32>
      %jit3A_87 = arith.constant 5120 : i32
      %broadcast_in_dim3A_88 = vector.broadcast %jit3A_87 : i32 to vector<16xi32>
      %select_n3A_89 = arith.select %and3A_84, %sub3A_86, %broadcast_in_dim3A_88 : vector<16xi1>, vector<16xi32>
      %swap3A_90 = arith.constant 64 : index
      %swap3A_91 = tpu.vector_load %arg8[%swap3A_90] {strides = array<i32>} : memref<80xi32, #tpu.memory_space<vmem>>, vector<16xi32>,
      tpu.vector_store %arg8[%swap3A_90], %select_n3A_89 {strides = array<i32>} : memref<80xi32, #tpu.memory_space<vmem>>, vector<16xi32>,
      %scan3A_92 = arith.constant 0 : i32
      %scan3A_93 = arith.constant 0 : i32
      %scan3A_94 = arith.constant 80 : i32
      %scan3A_95 = arith.addi %scan3A_93, %scan3A_94 : i32
      %scan3A_96 = arith.constant 1 : i32
      scf.for %scan3A_98 = %scan3A_93 to %scan3A_95 step %scan3A_96  : i32 {
        %get3A_99 = arith.index_cast %scan3A_98 : i32 to index
        %get3A_100 = arith.constant 0 : index
        %get3A_101 = tpu.vector_load %arg6[%get3A_99, %get3A_100] {strides = array<i32>} : memref<80x64xf32, #tpu.memory_space<vmem>>, vector<16xf32>,
        %max3A = arith.constant 0.000000e+00 : f32
        %max3A_102 = vector.broadcast %max3A : f32 to vector<16xf32>
        %max3A_103 = arith.maximumf %get3A_101, %max3A_102 : vector<16xf32>
        %swap3A_104 = arith.index_cast %scan3A_98 : i32 to index
        %swap3A_105 = arith.constant 0 : index
        %swap3A_106 = tpu.vector_load %arg9[%swap3A_104, %swap3A_105] {strides = array<i32>} : memref<80x64xf32, #tpu.memory_space<vmem>>, vector<16xf32>,
        tpu.vector_store %arg9[%swap3A_104, %swap3A_105], %max3A_103 {strides = array<i32>} : memref<80x64xf32, #tpu.memory_space<vmem>>, vector<16xf32>,
        %get3A_107 = arith.index_cast %scan3A_98 : i32 to index
        %get3A_108 = arith.constant 16 : index
        %get3A_109 = tpu.vector_load %arg6[%get3A_107, %get3A_108] {strides = array<i32>} : memref<80x64xf32, #tpu.memory_space<vmem>>, vector<16xf32>,
        %max3A_110 = arith.constant 0.000000e+00 : f32
        %max3A_111 = vector.broadcast %max3A_110 : f32 to vector<16xf32>
        %max3A_112 = arith.maximumf %get3A_109, %max3A_111 : vector<16xf32>
        %swap3A_113 = arith.index_cast %scan3A_98 : i32 to index
        %swap3A_114 = arith.constant 16 : index
        %swap3A_115 = tpu.vector_load %arg9[%swap3A_113, %swap3A_114] {strides = array<i32>} : memref<80x64xf32, #tpu.memory_space<vmem>>, vector<16xf32>,
        tpu.vector_store %arg9[%swap3A_113, %swap3A_114], %max3A_112 {strides = array<i32>} : memref<80x64xf32, #tpu.memory_space<vmem>>, vector<16xf32>,
        %get3A_116 = arith.index_cast %scan3A_98 : i32 to index
        %get3A_117 = arith.constant 32 : index
        %get3A_118 = tpu.vector_load %arg6[%get3A_116, %get3A_117] {strides = array<i32>} : memref<80x64xf32, #tpu.memory_space<vmem>>, vector<16xf32>,
        %max3A_119 = arith.constant 0.000000e+00 : f32
        %max3A_120 = vector.broadcast %max3A_119 : f32 to vector<16xf32>
        %max3A_121 = arith.maximumf %get3A_118, %max3A_120 : vector<16xf32>
        %swap3A_122 = arith.index_cast %scan3A_98 : i32 to index
        %swap3A_123 = arith.constant 32 : index
        %swap3A_124 = tpu.vector_load %arg9[%swap3A_122, %swap3A_123] {strides = array<i32>} : memref<80x64xf32, #tpu.memory_space<vmem>>, vector<16xf32>,
        tpu.vector_store %arg9[%swap3A_122, %swap3A_123], %max3A_121 {strides = array<i32>} : memref<80x64xf32, #tpu.memory_space<vmem>>, vector<16xf32>,
        %get3A_125 = arith.index_cast %scan3A_98 : i32 to index
        %get3A_126 = arith.constant 48 : index
        %get3A_127 = tpu.vector_load %arg6[%get3A_125, %get3A_126] {strides = array<i32>} : memref<80x64xf32, #tpu.memory_space<vmem>>, vector<16xf32>,
        %max3A_128 = arith.constant 0.000000e+00 : f32
        %max3A_129 = vector.broadcast %max3A_128 : f32 to vector<16xf32>
        %max3A_130 = arith.maximumf %get3A_127, %max3A_129 : vector<16xf32>
        %swap3A_131 = arith.index_cast %scan3A_98 : i32 to index
        %swap3A_132 = arith.constant 48 : index
        %swap3A_133 = tpu.vector_load %arg9[%swap3A_131, %swap3A_132] {strides = array<i32>} : memref<80x64xf32, #tpu.memory_space<vmem>>, vector<16xf32>,
        tpu.vector_store %arg9[%swap3A_131, %swap3A_132], %max3A_130 {strides = array<i32>} : memref<80x64xf32, #tpu.memory_space<vmem>>, vector<16xf32>,
      }
      %scan3A_97 = arith.constant 80 : i32
      "tpu.region"() ({
        %run_scoped3A = tpu.sem_alloc : memref<!tpu.dma_semaphore, #tpu.memory_space<semaphore_mem>>
        %dma_start3A = arith.constant 0 : i32
        %dma_start3A_98 = arith.constant 0 : i32
        %dma_start3A_99 = tpu.memref_slice %arg11[%dma_start3A, %dma_start3A_98] : memref<5128x64xf32, #tpu.memory_space<vmem_shared>> -> memref<5128x64xf32, #tpu.memory_space<vmem_shared>>
        tpu.enqueue_indirect_dma source(%arg9 : memref<80x64xf32, #tpu.memory_space<vmem>>) target(%dma_start3A_99 : memref<5128x64xf32, #tpu.memory_space<vmem_shared>>) offsets(%arg8 : memref<80xi32, #tpu.memory_space<vmem>>) semaphore(%run_scoped3A : memref<!tpu.dma_semaphore, #tpu.memory_space<semaphore_mem>>) {add = true}
        %dma_wait3A = arith.constant 0 : i32
        %dma_wait3A_100 = arith.constant 0 : i32
        %dma_wait3A_101 = tpu.memref_slice %arg11[%dma_wait3A, %dma_wait3A_100] : memref<5128x64xf32, #tpu.memory_space<vmem_shared>> -> memref<5128x64xf32, #tpu.memory_space<vmem_shared>>
        tpu.wait_indirect_dma semaphore(%run_scoped3A : memref<!tpu.dma_semaphore, #tpu.memory_space<semaphore_mem>>) src(%arg9 : memref<80x64xf32, #tpu.memory_space<vmem>>) dst(%dma_wait3A_101 : memref<5128x64xf32, #tpu.memory_space<vmem_shared>>)
        tpu.yield
      }) : () -> ()
    }
    %scan3A_9 = arith.constant 250 : i32
    %barrier3A_10 = arith.constant 0 : index
    tpu.barrier barrier_id(%barrier3A_10)
    %mul3A_11 = arith.constant 320 : i32
    %mul3A_12 = arith.muli %arg1, %mul3A_11 : i32
    %mul3A_13 = arith.constant 5120 : i32
    %mul3A_14 = arith.muli %arg0, %mul3A_13 : i32
    %mul3A_15 = arith.constant 320 : i32
    %mul3A_16 = arith.muli %arg1, %mul3A_15 : i32
    %add3A = arith.addi %mul3A_14, %mul3A_16 : i32
    "tpu.region"() ({
      %run_scoped3A = tpu.sem_alloc : memref<!tpu.dma_semaphore, #tpu.memory_space<semaphore_mem>>
      %dma_start3A = arith.constant 0 : i32
      %dma_start3A_17 = tpu.memref_slice %arg5[%add3A, %dma_start3A] : memref<10240x64xf32, #tpu.memory_space<hbm>> -> memref<320x64xf32, #tpu.memory_space<hbm>>
      %dma_start3A_18 = arith.constant 0 : i32
      %dma_start3A_19 = tpu.memref_slice %arg11[%mul3A_12, %dma_start3A_18] : memref<5128x64xf32, #tpu.memory_space<vmem_shared>> -> memref<320x64xf32, #tpu.memory_space<vmem_shared>>
      tpu.enqueue_dma source(%dma_start3A_19 : memref<320x64xf32, #tpu.memory_space<vmem_shared>>) target(%dma_start3A_17 : memref<320x64xf32, #tpu.memory_space<hbm>>) target_semaphore(%run_scoped3A : memref<!tpu.dma_semaphore, #tpu.memory_space<semaphore_mem>>)
      %dma_wait3A = arith.constant 0 : i32
      %dma_wait3A_20 = tpu.memref_slice %arg5[%add3A, %dma_wait3A] : memref<10240x64xf32, #tpu.memory_space<hbm>> -> memref<320x64xf32, #tpu.memory_space<hbm>>
      %dma_wait3A_21 = arith.constant 0 : i32
      %dma_wait3A_22 = tpu.memref_slice %arg11[%mul3A_12, %dma_wait3A_21] : memref<5128x64xf32, #tpu.memory_space<vmem_shared>> -> memref<320x64xf32, #tpu.memory_space<vmem_shared>>
      tpu.wait_dma2 semaphore(%run_scoped3A : memref<!tpu.dma_semaphore, #tpu.memory_space<semaphore_mem>>) src(%dma_wait3A_22 : memref<320x64xf32, #tpu.memory_space<vmem_shared>>) dst(%dma_wait3A_20 : memref<320x64xf32, #tpu.memory_space<hbm>>)
      tpu.yield
    }) : () -> ()
    return
  }
}

</mosaic_0001>

<sc_bundles>
// kernel: _agg_sc_call.3.cloned.1.call-start
scs
__scs_entry_jumppad:
0x0: {  	(pc) =	sbr.rel $0x88, $3  }
0x1: {  	(tag) =	ssettag $0x0;
	lr =	simm.s32 $0x1  }
0x2: {  	[smem:$0x3F9E] =	sst lr;
	_ =	strace $0xD0000000  }
0x3: {  	_ = 	snop  }
0x4: {  	_ = 	snop  }
0x5: {  	_ = 	snop  }
0x6: {  	_ = 	snop  }
0x7: {  	_ = 	snop  }
__scs_overlays_trampoline_lowered:
0x8: {  	[smem:$0x3FAD] =	sst s0  }
0x9: {  	[smem:$0x3FAE] =	sst s1  }
0xa: {  	[smem:$0x3FAF] =	sst s2  }
0xb: {  	[smem:$0x3FB0] =	sst s3  }
0xc: {  	[smem:$0x3FB1] =	sst s4  }
0xd: {  	[smem:$0x3FB2] =	sst s5  }
0xe: {  	[smem:$0x3FB3] =	sst s6  }
0xf: {  	[smem:$0x3FB4] =	sst s7  }
0x10: {  	[smem:$0x3FB5] =	sst s8  }
0x11: {  	[smem:$0x3FB6] =	sst s9;
	s0 =	simm.s32 @!p0 $0x0  }
0x12: {  	s1 =	sld [smem:$0x3F9C];
	s0 =	simm.s32 @p0 $0x1  }
0x13: {  	[smem:$0x3FB7] =	sst s0;
	s0 =	simm.s32 @!p1 $0x0  }
0x14: {  	s2 =	sld [smem:$0x3F9B];
	s0 =	simm.s32 @p1 $0x1  }
0x15: {  	[smem:$0x3FB8] =	sst s0;
	s0 =	simm.s32 @!p2 $0x0  }
0x16: {  	s3 =	sld [smem:$0x3FDB];
	s0 =	simm.s32 @p2 $0x1  }
0x17: {  	s4 =	simm.s32 $0x1BF5;
	[smem:$0x3FBA] =	sst s0  }
0x18: {  	s0 =	sld [smem:$0x3F9D];
	_ =	swait.ge [sflag:s4], $0x0  }
0x19: {  	s7 =	sld [smem:$0x3F9E]  }
0x1a: {  	s8 =	sadd.s32 $0xFFFFE003, lr  }
0x1b: {  	s9 =	sadd.s32 $0xFFFFFEF7, lr;
	s5 =	simm.s32 $0xFFFFFFFF;
	p2 =	slt.u32 s8, $0xFFFFF086  }
0x1c: {  	p1 =	slt.u32 s9, $0xF7A;
	s5 =	simm.s32 @!p2 $0x0  }
0x1d: {  	s5 =	simm.s32 @p1 $0x1;
	p0 =	seq.s32 s7, s2  }
0x1e: {  	s7 =	smul.u32 @!p0 $0xF7A, s2;
	p2 =	seq.s32 @!p0 s5, $0x0  }
0x1f: {  	s9 =	smul.u32 $0xF7A, s1;
	s8 =	simm.s32 @!p0 $0x1BF5;
	p2 =	por !p2, p0  }
0x20: {  	[sflag:s8] =	ssyncset.s32 @!p0 $0xFFFFF086;
	s6 =	sadd.s32 @!p0 s3, s7;
	s7 =	simm.s32 @!p0 $0x108  }
0x21: {  	s3 =	sadd.s32 s3, s9;
	s6 =	sadd.s32 @!p0 $0x88, s6;
	s7 =	simm.s32 @p2 $0x1082  }
0x22: {  	[simem:s7], [sflag:s8] =	dma.local @!p0 [hbm:s6], $0xF7A  }
0x23: {  	s9 =	sor.u32 $0xD0000000, s2;
	s6 =	simm.s32 $0x108;
	_ =	swait.ge @!p0 [sflag:s8], $0x0  }
0x24: {  	s3 =	sadd.s32 $0x88, s3;
	s6 =	simm.s32 @!p1 $0x1082;
	[sflag:s4] =	ssyncset.s32 $0xFFFFF086  }
0x25: {  	[simem:s6], [sflag:s4] =	dma.local [hbm:s3], $0xF7A  }
0x26: {  	[smem:$0x3F9E] =	sst s1;
	(tag) =	ssettag s2;
	_ =	strace s9  }
0x27: {  	s1 =	sld [smem:$0x3FAE]  }
0x28: {  	s2 =	sld [smem:$0x3FAF]  }
0x29: {  	s4 =	sld [smem:$0x3FB1]  }
0x2a: {  	p0 =	seq.s32 s5, $0x0;
	s5 =	sld [smem:$0x3FB2]  }
0x2b: {  	s6 =	sld [smem:$0x3FB3]  }
0x2c: {  	s7 =	sld [smem:$0x3FB4]  }
0x2d: {  	s3 =	simm.s32 $0x108;
	s8 =	sld [smem:$0x3FB5]  }
0x2e: {  	s3 =	simm.s32 @!p0 $0x1082;
	s9 =	sld [smem:$0x3FB6]  }
0x2f: {  	lr =	sadd.s32 s0, s3;
	s0 =	sld [smem:$0x3FAD]  }
0x30: {  	s3 =	sld [smem:$0x3FB0]  }
0x31: {  	[smem:$0x3FB9] =	sst s10  }
0x32: {  	s10 =	sld [smem:$0x3FB7];
	_ =	sdelay $0x3  }
0x33: {  	p0 =	seq.s32 s10, $0x1;
	s10 =	sld [smem:$0x3FB9];
	_ =	sdelay $0x3  }
0x34: {  	[smem:$0x3FB9] =	sst s10  }
0x35: {  	s10 =	sld [smem:$0x3FB8];
	_ =	sdelay $0x3  }
0x36: {  	p1 =	seq.s32 s10, $0x1;
	s10 =	sld [smem:$0x3FB9];
	_ =	sdelay $0x3  }
0x37: {  	[smem:$0x3FB9] =	sst s10  }
0x38: {  	s10 =	sld [smem:$0x3FBA]  }
0x39: {  	_ = 	snop;
	(pc) =	sbr.ind lr, $3  }
0x3a: {  	_ = 	snop  }
0x3b: {  	_ = 	snop  }
0x3c: {  	p2 =	seq.s32 s10, $0x1;
	s10 =	sld [smem:$0x3FB9]  }
0x3d: {  	_ =	shalt  }
0x3e: {  	_ =	shalt  }
0x3f: {  	_ =	shalt  }
0x40: {  	_ =	shalt  }
0x41: {  	_ =	shalt  }
0x42: {  	_ =	shalt  }
0x43: {  	_ =	shalt  }
0x44: {  	_ =	shalt  }
0x45: {  	_ =	shalt  }
0x46: {  	_ =	shalt  }
0x47: {  	_ =	shalt  }
0x48: {  	_ =	shalt  }
0x49: {  	_ =	shalt  }
0x4a: {  	_ =	shalt  }
0x4b: {  	_ =	shalt  }
0x4c: {  	_ =	shalt  }
0x4d: {  	_ =	shalt  }
0x4e: {  	_ =	shalt  }
0x4f: {  	_ =	shalt  }
0x50: {  	_ =	shalt  }
0x51: {  	_ =	shalt  }
0x52: {  	_ =	shalt  }
0x53: {  	_ =	shalt  }
0x54: {  	_ =	shalt  }
0x55: {  	_ =	shalt  }
0x56: {  	_ =	shalt  }
0x57: {  	_ =	shalt  }
0x58: {  	_ =	shalt  }
0x59: {  	_ =	shalt  }
0x5a: {  	_ =	shalt  }
0x5b: {  	_ =	shalt  }
0x5c: {  	_ =	shalt  }
0x5d: {  	_ =	shalt  }
0x5e: {  	_ =	shalt  }
0x5f: {  	_ =	shalt  }
0x60: {  	_ =	shalt  }
0x61: {  	_ =	shalt  }
0x62: {  	_ =	shalt  }
0x63: {  	_ =	shalt  }
0x64: {  	_ =	shalt  }
0x65: {  	_ =	shalt  }
0x66: {  	_ =	shalt  }
0x67: {  	_ =	shalt  }
0x68: {  	_ =	shalt  }
0x69: {  	_ =	shalt  }
0x6a: {  	_ =	shalt  }
0x6b: {  	_ =	shalt  }
0x6c: {  	_ =	shalt  }
0x6d: {  	_ =	shalt  }
0x6e: {  	_ =	shalt  }
0x6f: {  	_ =	shalt  }
0x70: {  	_ =	shalt  }
0x71: {  	_ =	shalt  }
0x72: {  	_ =	shalt  }
0x73: {  	_ =	shalt  }
0x74: {  	_ =	shalt  }
0x75: {  	_ =	shalt  }
0x76: {  	_ =	shalt  }
0x77: {  	_ =	shalt  }
0x78: {  	_ =	shalt  }
0x79: {  	_ =	shalt  }
0x7a: {  	_ =	shalt  }
0x7b: {  	_ =	shalt  }
0x7c: {  	_ =	shalt  }
0x7d: {  	_ =	shalt  }
0x7e: {  	_ =	shalt  }
0x7f: {  	_ =	shalt  }
0x80: {  	_ =	shalt  }
0x81: {  	_ =	shalt  }
0x82: {  	_ =	shalt  }
0x83: {  	_ =	shalt  }
0x84: {  	_ =	shalt  }
0x85: {  	_ =	shalt  }
0x86: {  	_ =	shalt  }
0x87: {  	_ =	shalt  }
.Lfunc_end0:
.L_simem_size_0:
called_computation_lowered:
.L_overlay_start_0:
0x88: {  	s2 =	sld [smem:$0x3FD9]  }
0x89: {  	s3 =	sld [smem:$0x3FFE];
	_ =	sdelay $0x1  }
0x8a: {  	s1 =	srdreg.scid  }
0x8b: {  	s0 =	sand.u32 $0x1, s1  }
0x8c: {  	s17 =	sshll.u32 s0, $0xA;
	s2 =	sadd.s32 s3, s2  }
0x8d: {  	s2 =	sadd.s32 s2, s17  }
0x8e: {  	[smem:$0x3FC5] =	sst s2  }
0x8f: {  	_ = 	snop  }
0x90: {  	s2 =	sld [smem:$0x3FC8]  }
0x91: {  	s18 =	sld [smem:$0x3FD0];
	(tm) =	ssettm $0x1  }
0x92: {  	s4 =	sld [smem:$0x3FFB];
	_ =	sdelay $0x3  }
0x93: {  	_ =	strace s4  }
0x94: {  	s4 =	sld [smem:$0x3FFC];
	_ =	sdelay $0x3  }
0x95: {  	_ =	strace s4  }
0x96: {  	s4 =	sld [smem:$0x3FFD];
	_ =	sdelay $0x3  }
0x97: {  	_ =	strace s4  }
0x98: {  	_ =	strace $0x8FFFFFFF  }
0x99: {  	s19 =	sld [smem:$0x3FDB];
	_ =	sdelay $0x1  }
0x9a: {  	s5 =	simm.s32 $_scs_section_size  }
0x9b: {  	s6 =	simm.s32 $_size__tile_overlayer_lowered;
	s7 =	simm.s32 $_tile_overlayer_lowered  }
0x9c: {  	s22 =	simm.s32 $0x1BFF;
	s21 =	sshll.u32 s7, $0x1;
	s4 =	sadd.s32 s5, s19  }
0x9d: {  	s8 =	simm.s32 $0x0;
	s20 =	sshll.u32 s6, $0x1;
	s6 =	sadd.s32 s21, s4  }
0x9e: {  	[timem:s8], [sflag:s22] =	dma.local [hbm:s6], s20  }
0x9f: {  	_ =	swait.ge [sflag:s22], s20  }
0xa0: {  	s5 =	ssub.s32 $0x0, s20;
	[sflag:s22] =	ssyncset.done $0x0  }
0xa1: {  	[sflag:s22] =	ssyncadd.s32 s5;
	_ =	sdelay $0x1  }
0xa2: {  	s23 =	simm.s32 $0x1B8B  }
0xa3: {  	_ =	swait.ge [sflag:s23], $0x1  }
0xa4: {  	[sflag:s23] =	ssyncset.done $0x0  }
0xa5: {  	s25 =	simm.s32 $0x1B8E;
	s24 =	sld [smem:$0x3FFE];
	[sflag:s23] =	ssyncadd.s32 $0xFFFFFFFF  }
0xa6: {  	s26 =	simm.s32 $execute0_lowered;
	[smem:$0x3FD2] =	sst s25  }
0xa7: {  	s6 =	sshll.u32 s26, $0x1;
	_ =	strace $0x80000046;
	[dreg:$0x1] =	wrdreg $0xFFFFFFFF  }
0xa8: {  	s28 =	simm.s32 $_size_execute0_lowered;
	s4 =	sadd.s32 s4, s6;
	[dreg:$0x0] =	wrdreg $0x0  }
0xa9: {  	s6 =	sshll.u32 s28, $0x1;
	[dreg:$0x2] =	wrdreg s4  }
0xaa: {  	[dreg:$0x3] =	wrdreg s6  }
0xab: {  	[dreg:$0x4] =	wrdreg $0xC0  }
0xac: {  	_ =	task [dreg:s8], $0x5FFFF  }
0xad: {  	[dreg:$0x1] =	wrdreg $0xFFFFFFFF  }
0xae: {  	[dreg:$0x0] =	wrdreg $0x60  }
0xaf: {  	[dreg:$0x2] =	wrdreg s24  }
0xb0: {  	[dreg:$0x3] =	wrdreg s2  }
0xb1: {  	[dreg:$0x4] =	wrdreg s18  }
0xb2: {  	[dreg:$0x5] =	wrdreg $0xF1000  }
0xb3: {  	[dreg:$0x6] =	wrdreg $0x9  }
0xb4: {  	_ =	task.clear_ibuf [dreg:s8], $0x7FFFF;
	_ =	strace $0x90000046  }
0xb5: {  	s29 =	simm.s32 $0x9;
	_ =	strace $0x80000048  }
0xb6: {  	_ =	swait.ge [sflag:s29], $0x1  }
0xb7: {  	[sflag:s29] =	ssyncadd.s32 $0xFFFFFFFF  }
0xb8: {  	_ =	strace $0x90000048  }
0xb9: {  	_ =	sfence  }
0xba: {  	s30 =	sld [smem:$0x0];
	_ =	sdelay $0x2  }
0xbb: {  	s31 =	sshll.u32 s1, $0xD;
	s1 =	sshrl.u32 s1, $0x2  }
0xbc: {  	s3 =	sand.u32 $0x4000, s31;
	s1 =	sadd.s32 s1, s30  }
0xbd: {  	s0 =	sor.u32 s3, s0;
	s1 =	sshll.u32 s1, $0x11  }
0xbe: {  	s0 =	sor.u32 s1, s0  }
0xbf: {  	s0 =	sadd.s32 $0x8F2B, s0  }
0xc0: {  	[sflag:s0] =	ssyncadd.remote.s32 $0x1  }
0xc1: {  	_ =	sfence.sel $0xFFFF  }
0xc2: {  	[dreg:$0x0] =	wrdreg $0xFFFFFFFF;
	(pc) =	sbr.abs _section_cstart, $3  }
0xc3: {  	[dreg:$0x1] =	wrdreg $0xFFFFFFFF  }
0xc4: {  	_ =	task.clear_ibuf [dreg:s8], $0x2FFFF;
	_ =	strace $0x9FFFFFFF  }
0xc5: {  	(tm) =	ssettm $0x7FFFFFFF  }
tec
execute0_lowered:
.L_overlay_start_1:
0x0: {  	(tag) =	ssettag $0x1  }
0x1: {  	s7 =	rddreg [dreg:$0x0]  }
0x2: {  	s1 =	rddreg [dreg:$0x1]  }
0x3: {  	s3 =	rddreg [dreg:$0x2]  }
0x4: {  	s4 =	rddreg [dreg:$0x3]  }
0x5: {  	s0 =	rddreg [dreg:$0x4]  }
0x6: {  	s6 =	srdreg.scid;
	s2 =	stileid.u32  }
0x7: {  	s5 =	simm.s32 $0x0;
	s13 =	simm.s32 $0x2800;
	s14 =	simm.s32 $0x50  }
0x8: {  	s15 =	simm.s32 $0x2880;
	s16 =	simm.s32 $0x2900;
	s8 =	smul.u32 $0x140, s2  }
0x9: {  	s6 =	sand.u32 $0x1, s6;
	[smem:$0x7FF] =	sst s5;
	s10 =	smul.u32 $0x28000, s2  }
0xa: {  	s19 =	sshll.u32 s2, $0x6;
	s17 =	smul.u32 $0x1400, s6;
	s9 =	ssub.s32 $0x2, s6  }
0xb: {  	_ =	strace $0x80000047;
	s6 =	sadd.s32 $0x400, s7;
	s11 =	sshrl.u32 s9, $0x1  }
0xc: {  	s31 =	sshrl.u32 s10, $0x2;
	s8 =	sadd.s32 s8, s17;
	s11 =	ssub.s32 s9, s11  }
0xd: {  	s18 =	sadd.s32 $0x1400, s17;
	v0 =	vmov s17;
	s17 =	sor.u32 $0x1C01, s19;
	s19 =	simm.s32 $0x0  }
0xe: {  	s8 =	sshll.u32 s8, $0x4;
	s10 =	smax.u32 s11, $0x1;
	s11 =	simm.s32 $0x5100  }
0xf: {  	s12 =	sadd.s32 s8, s7;
	s7 =	sadd.s32 s31, s4;
	s8 =	smul.u32 $0x4E20, s2  }
0x10: {  	v1 =	vmov s18;
	s9 =	sadd.s32 $0x4E2400, s12;
	s12 =	simm.s32 $0x1;
	s18 =	sshrl.u32 s7, $0x3  }
.LBB2_1:
0x11: {  	[tilespmem:s11], [sflag:$0x1] =	stream.linear.gather [hbm4b:s3+s5], $0xA000, $0x38;
	[tilespmem:$0x14120] =	vst v63  }
0x12: {  	_ =	swait.ge [sflag:s12], $0xA000  }
0x13: {  	[sflag:s12] =	ssyncset.done $0x0  }
0x14: {  	[sflag:s12] =	ssyncadd.s32 $0xFFFF6000  }
0x15: {  	[spmem:s7] =	stream.linear.scatter [tilespmem:s11], [sflag:$0x1], $0xA000, $0x38;
	[tilespmem:$0x14120] =	vst v63  }
0x16: {  	_ =	swait.ge [sflag:s12], $0xA000  }
0x17: {  	[sflag:s12] =	ssyncset.done $0x0  }
0x18: {  	[sflag:s12] =	ssyncadd.s32 $0xFFFF6000  }
0x19: {  	s20 =	simm.s32 $0x0;
	[bflag:$0x0] =	sbarrier.arrive $0xFFFF  }
.LBB2_2:
0x1a: {  	s21 =	smul.u32 $0x50, s20;
	_ =	sdelay $0x1  }
0x1b: {  	s21 =	sadd.s32 s8, s21  }
0x1c: {  	s22 =	sshll.u32 s21, $0x4  }
0x1d: {  	s23 =	simm.s32 $0x0;
	s22 =	sadd.s32 s6, s22  }
0x1e: {  	[tilespmem:s23], [sflag:$0x1] =	stream.linear.gather [hbm4b:s22+s23], $0x2800, $0x38;
	[tilespmem:$0x14120] =	vst v63  }
0x1f: {  	_ =	swait.ge [sflag:s12], $0x2800  }
0x20: {  	s21 =	sshrl.u32 s21, $0x3;
	[sflag:s12] =	ssyncset.done $0x0  }
0x21: {  	s21 =	sadd.s32 s1, s21;
	[sflag:s12] =	ssyncadd.s32 $0xFFFFD800  }
0x22: {  	[tilespmem:s13], [sflag:$0x1] =	stream.linear.gather [hbm4b:s21+s23], $0x50, $0x38;
	[tilespmem:$0x14120] =	vst v63  }
0x23: {  	_ =	swait.ge [sflag:s12], $0x50  }
0x24: {  	[sflag:s12] =	ssyncset.done $0x0  }
0x25: {  	[sflag:s12] =	ssyncadd.s32 $0xFFFFFFB0  }
0x26: {  	v2 =	vld [tilespmem:$0x2800]  }
0x27: {  	v3 =	vld [tilespmem:$0x2810]  }
0x28: {  	v4 =	vld [tilespmem:$0x2820];
	_ =	sdelay $0x1  }
0x29: {  	v5 =	vld [tilespmem:$0x2830]  }
0x2a: {  	v6 =	vld [tilespmem:$0x2840]  }
0x2b: {  	vm0 =	vge.s32 v2, v0;
	vm1 =	vlt.s32 v2, v1;
	v2 =	vsub.s32 v2, v0  }
0x2c: {  	vm7 =	vge.s32 v3, v0;
	vm8 =	vlt.s32 v3, v1;
	vm2 =	vge.s32 v4, v0  }
0x2d: {  	vm3 =	vlt.s32 v4, v1;
	v3 =	vsub.s32 v3, v0;
	v4 =	vsub.s32 v4, v0  }
0x2e: {  	vm10 =	vge.s32 v5, v0;
	vm11 =	vlt.s32 v5, v1;
	vm0 =	vmand vm0, vm1  }
0x2f: {  	vm13 =	vge.s32 v6, v0;
	v2 =	vnsel vm0, $0x1400, v2;
	vm0 =	vmand vm7, vm8  }
0x30: {  	vm14 =	vlt.s32 v6, v1;
	vm9 =	vmand vm2, vm3;
	v3 =	vnsel vm0, $0x1400, v3;
	[tilespmem:$0x2880] =	vst v2  }
0x31: {  	vm12 =	vmand vm10, vm11;
	v2 =	vnsel vm9, $0x1400, v4;
	[tilespmem:$0x2890] =	vst v3;
	v3 =	vsub.s32 v5, v0  }
0x32: {  	vm15 =	vmand vm13, vm14;
	[tilespmem:$0x28A0] =	vst v2;
	v2 =	vsub.s32 v6, v0;
	v3 =	vnsel vm12, $0x1400, v3  }
0x33: {  	v2 =	vnsel vm15, $0x1400, v2;
	[tilespmem:$0x28B0] =	vst v3  }
0x34: {  	s21 =	simm.s32 $0x0;
	[tilespmem:$0x28C0] =	vst v2  }
0x35: {  	v4 =	vld [tilespmem:s21+$0x30]  }
0x36: {  	v5 =	vld [tilespmem:s21+$0x0]  }
0x37: {  	v2 =	vld [tilespmem:s21+$0x10]  }
0x38: {  	s22 =	simm.s32 $0x200;
	v3 =	vld [tilespmem:s21+$0x20]  }
.LBB2_3:
0x39: {  	p0 =	sne.s32 s22, $0x9E00  }
.Ltmp0:
0x3a: {  	s23 =	sshra.s32 s22, $0x2;
	s22 =	sadd.s32 $0x200, s22;
	v6 =	vmax.f32 v4, $0.0e+00;
	(pc) =	sbr.rel @p0 .LBB2_3-.Ltmp0, $4  }
0x3b: {  	v4 =	vld [tilespmem:s23+$0x30];
	v7 =	vmax.f32 v5, $0.0e+00;
	[tilespmem:s21+$0x2930] =	vst v6  }
0x3c: {  	v5 =	vld [tilespmem:s23+$0x0];
	[tilespmem:s21+$0x2900] =	vst v7;
	v6 =	vmax.f32 v2, $0.0e+00  }
0x3d: {  	v2 =	vld [tilespmem:s23+$0x10];
	[tilespmem:s21+$0x2910] =	vst v6;
	v6 =	vmax.f32 v3, $0.0e+00  }
0x3e: {  	v3 =	vld [tilespmem:s23+$0x20];
	[tilespmem:s21+$0x2920] =	vst v6;
	s21 =	smov.u32 s23  }
0x3f: {  	_ = 	snop  }
0x40: {  	v4 =	vmax.f32 v4, $0.0e+00  }
0x41: {  	v5 =	vmax.f32 v5, $0.0e+00;
	[tilespmem:s21+$0x2930] =	vst v4  }
0x42: {  	s20 =	sadd.s32 $0x1, s20;
	[tilespmem:s21+$0x2900] =	vst v5;
	v2 =	vmax.f32 v2, $0.0e+00  }
0x43: {  	p0 =	sne.s32 s20, $0xFA;
	[tilespmem:s21+$0x2910] =	vst v2;
	v2 =	vmax.f32 v3, $0.0e+00  }
.Ltmp1:
0x44: {  	[tilespmem:s21+$0x2920] =	vst v2;
	(pc) =	sbr.rel @p0 .LBB2_2-.Ltmp1, $4  }
0x45: {  	[spmem:s4] =	stream.indirect.scatter.add.f32 [tilespmem:s16], [sflag:$0x1], $0x40, s15, s14, $0xb8;
	[tilespmem:$0x14120] =	vst v63  }
0x46: {  	_ =	swait.ge [sflag:s12], $0x1400  }
0x47: {  	[sflag:s12] =	ssyncset.done $0x0  }
0x48: {  	[sflag:s12] =	ssyncadd.s32 $0xFFFFEC00  }
0x49: {  	s19 =	sadd.s32 $0x1, s19  }
0x4a: {  	p0 =	sne.s32 s19, s10  }
.Ltmp2:
0x4b: {  	[bflag:$0x0] =	sbarrier.arrive $0xFFFF;
	(pc) =	sbr.rel @p0 .LBB2_1-.Ltmp2, $4  }
0x4c: {  	[hbm:s9], [sflag:s17] =	dma.local [spmem:s18], $0x1400  }
0x4d: {  	_ =	swait.ge [sflag:s12], $0x1400  }
0x4e: {  	[sflag:s12] =	ssyncset.done $0x0  }
0x4f: {  	[sflag:s12] =	ssyncadd.s32 $0xFFFFEC00  }
0x50: {  	_ =	sfence.sel $0x180000  }
0x51: {  	[bflag:$0x0] =	sbarrier.arrive $0xFFFF  }
0x52: {  	p0 =	sne.s32 s2, $0x0;
	_ =	strace $0x90000047  }
0x53: {  	s0 =	sadd.s32 @!p0 $0x100000, s0;
	[bflag:$0x2] =	sbarrier.arrive $0xFFFF  }
0x54: {  	[sflag:s0] =	ssyncadd.tile.s32 @!p0 $0x1;
	_ =	shalt  }
.Lfunc_end2:
_tile_overlayer_lowered:
.L_overlay_start_2:
0x55: {  	(tag) =	ssettag $0x2  }
0x56: {  	s0 =	rddreg [dreg:$0x0];
	s2 =	stileid.u32  }
0x57: {  	s1 =	rddreg [dreg:$0x1];
	p0 =	sne.s32 s2, $0x0  }
0x58: {  	s3 =	rddreg [dreg:$0x2];
	[bflag:$0x3] =	sbarrier.arrive $0xFFFF;
	s2 =	simm.s32 @!p0 $0x1C01  }
0x59: {  	[timem:s3], [sflag:s2] =	dma.local @!p0 [hbm:s0], s1  }
0x5a: {  	s0 =	simm.s32 @!p0 $0x1  }
0x5b: {  	_ =	swait.ge @!p0 [sflag:s0], s1  }
0x5c: {  	s1 =	ssub.s32 @!p0 $0x0, s1;
	[sflag:s0] =	ssyncset.done @!p0 $0x0  }
0x5d: {  	[sflag:s0] =	ssyncadd.s32 @!p0 s1  }
0x5e: {  	[bflag:$0x3] =	sbarrier.arrive $0xFFFF  }
0x5f: {  	_ =	shalt  }

</sc_bundles>
